<compile_context>
chip_gen: v7x
topology: tpu7x:2x2x1
jax: 0.10.2.dev20260603
libtpu: 0.0.44.dev20260713+nightly
codegen_flags: <defaults>
</compile_context>

<pallas_src>
import math

import jax
import jax.numpy as jnp
from jax.experimental import pallas as pl
from jax.experimental.pallas import tpu as pltpu

_NT = 8192


def _scalars_kern(dt_ref, s_ref, c_ref, lm_ref, sf_ref):
    dt = dt_ref[...]
    dc = jnp.clip(dt, 0.0, 24.0)
    mins = dc * 60.0
    sf_ref[...] = jnp.where(mins < 5.0, 0,
                            jnp.where(mins < 60.0, 1, 2)).astype(jnp.int32)
    lm_ref[...] = jnp.log1p(dc * (1.0 / 24.0))
    m60 = mins - 60.0 * jnp.floor(mins * (1.0 / 60.0))
    a = m60 * (2.0 * math.pi / 60.0)
    ac = jnp.concatenate([a, a + 0.5 * math.pi], axis=0)
    sc = jnp.sin(ac)
    r = a.shape[0]
    s_ref[...] = sc[:r]
    c_ref[...] = sc[r:]


def _fused_weights(hour_table, circ_w1, circ_b1, circ_w2, circ_b2, day_table,
                   wk_w, wk_b, scale_table, mag_w2, mag_b2, vel_w2, vel_b2,
                   comp_w1, comp_b1):
    hh = jax.lax.broadcasted_iota(jnp.int32, (24, 1), 0).astype(jnp.float32)
    ang = (2.0 * math.pi / 24.0) * hh
    phase = jnp.concatenate([jnp.sin(ang), jnp.cos(ang)], axis=1)
    cont = jnp.maximum(phase @ circ_w1 + circ_b1, 0.0) @ circ_w2 + circ_b2
    t24 = jnp.concatenate([hour_table, cont], axis=1) @ comp_w1[0:48]
    is_wk = (jax.lax.broadcasted_iota(jnp.int32, (7, 1), 0) >= 5).astype(jnp.float32)
    t7 = jnp.concatenate([day_table, is_wk @ wk_w + wk_b], axis=1) @ comp_w1[48:64]
    t3 = scale_table @ comp_w1[64:69]
    mw = mag_w2 @ comp_w1[69:74]
    dw = comp_w1[74:76]
    vw = vel_w2 @ comp_w1[76:84]
    wf = jnp.concatenate([t24, t7, t3, mw, dw, vw], axis=0)
    bf = comp_b1 + mag_b2 @ comp_w1[69:74] + vel_b2 @ comp_w1[76:84]
    return wf, bf


def _main_kern(hf_ref, df_ref, v_ref, s_ref, c_ref, lm_ref, sf_ref,
               hour_table, circ_w1, circ_b1, circ_w2, circ_b2, day_table,
               wk_w, wk_b, scale_table, mag_w1, mag_b1, mag_w2, mag_b2,
               vel_w1, vel_b1, vel_w2, vel_b2, comp_w1, comp_b1, comp_w2,
               comp_b2, out_ref):
    wf, bf = _fused_weights(hour_table[...], circ_w1[...], circ_b1[...],
                            circ_w2[...], circ_b2[...], day_table[...],
                            wk_w[...], wk_b[...], scale_table[...],
                            mag_w2[...], mag_b2[...], vel_w2[...],
                            vel_b2[...], comp_w1[...], comp_b1[...])
    hf = hf_ref[...]
    df = df_ref[...]
    sf = sf_ref[...]
    v = v_ref[...]
    s = s_ref[...]
    c = c_ref[...]
    lm = lm_ref[...]
    nt = hf.shape[1]

    oh24 = (jax.lax.broadcasted_iota(jnp.int32, (24, nt), 0) == hf
            ).astype(jnp.float32)
    oh7 = (jax.lax.broadcasted_iota(jnp.int32, (7, nt), 0) == df
           ).astype(jnp.float32)
    oh3 = (jax.lax.broadcasted_iota(jnp.int32, (3, nt), 0) == sf
           ).astype(jnp.float32)
    hm = jnp.maximum(lm * mag_w1[...].T + mag_b1[...].T, 0.0)
    hv = jnp.maximum(v * vel_w1[...].T + vel_b1[...].T, 0.0)
    ft = jnp.concatenate([oh24, oh7, oh3, hm, s, c, hv], axis=0)

    h1 = jax.lax.dot_general(ft, wf, (((0,), (0,)), ((), ())),
                             preferred_element_type=jnp.float32)
    h1 = jnp.maximum(h1 + bf, 0.0)
    out_ref[...] = h1 @ comp_w2[...] + comp_b2[...]


def kernel(hours, days, deltas_hours, velocities, hour_table, circ_w1,
           circ_b1, circ_w2, circ_b2, day_table, wk_w, wk_b, scale_table,
           mag_w1, mag_b1, mag_w2, mag_b2, vel_w1, vel_b1, vel_w2, vel_b2,
           comp_w1, comp_b1, comp_w2, comp_b2):
    B, S = hours.shape
    n = B * S
    nt = _NT
    dt_p = deltas_hours.reshape(n // 128, 128)

    s_p, c_p, lm_p, sf_p = pl.pallas_call(
        _scalars_kern,
        out_shape=[jax.ShapeDtypeStruct(dt_p.shape, jnp.float32)] * 3
        + [jax.ShapeDtypeStruct(dt_p.shape, jnp.int32)],
    )(dt_p)

    def row(x):
        return x.reshape(1, n)

    def row2(x):
        return x.reshape(1, -1)

    tok_spec = pl.BlockSpec((1, nt), lambda i: (0, i))
    full = lambda a: pl.BlockSpec(a.shape, lambda i: tuple(0 for _ in a.shape))
    weights = (hour_table, circ_w1, row2(circ_b1), circ_w2, row2(circ_b2),
               day_table, wk_w, row2(wk_b), scale_table, mag_w1, row2(mag_b1),
               mag_w2, row2(mag_b2), vel_w1, row2(vel_b1), vel_w2,
               row2(vel_b2), comp_w1, row2(comp_b1), comp_w2, row2(comp_b2))
    toks = (row(hours), row(days), row(velocities), row(s_p), row(c_p),
            row(lm_p), row(sf_p))
    out = pl.pallas_call(
        _main_kern,
        grid=(n // nt,),
        in_specs=[tok_spec] * 7 + [full(w) for w in weights],
        out_specs=pl.BlockSpec((nt, 64), lambda i: (i, 0)),
        out_shape=jax.ShapeDtypeStruct((n, 64), jnp.float32),
        compiler_params=pltpu.CompilerParams(
            dimension_semantics=("arbitrary",)),
    )(*toks, *weights)
    return out.reshape(B, S, 64)

# --- scband reference (transcript-rebuilt; emitter-appended) ---
"""Pipeline reference for scband-advanced-temporal-encoder-42485816492109 (READ-ONLY COPY).

The authoritative reference and input builder live on the scoring server;
editing this copy changes nothing except your own understanding.
"""

import jax, jax.numpy as jnp
import numpy as np
import math


def setup_inputs(seed: int = 0) -> dict:
    key = jax.random.key(seed)
    ks = [jax.random.fold_in(key, i) for i in range(40)]
    B, S = 4096, 50
    inp = {}
    inp["hours"] = jax.random.randint(ks[0], (B, S), 0, 24, dtype=jnp.int32)
    inp["days"] = jax.random.randint(ks[1], (B, S), 0, 7, dtype=jnp.int32)
    inp["deltas_hours"] = jax.random.uniform(ks[2], (B, S), dtype=jnp.float32)
    inp["velocities"] = jax.random.uniform(ks[3], (B, S), dtype=jnp.float32)
    def w(k, shape):
        return jax.random.normal(k, shape, dtype=jnp.float32) * 0.05
    # CircadianPatternEncoder(embedding_dim=32): hour table [24,32], continuous MLP 2->16->16
    inp["hour_table"] = w(ks[4], (24, 32))
    inp["circ_w1"] = w(ks[5], (2, 16)); inp["circ_b1"] = jnp.zeros((16,), jnp.float32)
    inp["circ_w2"] = w(ks[6], (16, 16)); inp["circ_b2"] = jnp.zeros((16,), jnp.float32)
    # DayOfWeekEncoder(embedding_dim=16): day table [7,8], weekend linear 1->8
    inp["day_table"] = w(ks[7], (7, 8))
    inp["wk_w"] = w(ks[8], (1, 8)); inp["wk_b"] = jnp.zeros((8,), jnp.float32)
    # TemporalDeltaEncoder(embedding_dim=16): scale table [3,5], magnitude MLP 1->5->5
    inp["scale_table"] = w(ks[9], (3, 5))
    inp["mag_w1"] = w(ks[10], (1, 5)); inp["mag_b1"] = jnp.zeros((5,), jnp.float32)
    inp["mag_w2"] = w(ks[11], (5, 5)); inp["mag_b2"] = jnp.zeros((5,), jnp.float32)
    # Velocity encoder: MLP 1->8->8 (vel_emb_dim = temporal_dim//8 = 8)
    inp["vel_w1"] = w(ks[12], (1, 8)); inp["vel_b1"] = jnp.zeros((8,), jnp.float32)
    inp["vel_w2"] = w(ks[13], (8, 8)); inp["vel_b2"] = jnp.zeros((8,), jnp.float32)
    # Composition MLP: concat dim 48+16+12+8=84 -> hidden 128 -> temporal_dim 64
    inp["comp_w1"] = w(ks[14], (84, 128)); inp["comp_b1"] = jnp.zeros((128,), jnp.float32)
    inp["comp_w2"] = w(ks[15], (128, 64)); inp["comp_b2"] = jnp.zeros((64,), jnp.float32)
    return inp


def reference(hours, days, deltas_hours, velocities, hour_table, circ_w1, circ_b1, circ_w2, circ_b2, day_table, wk_w, wk_b, scale_table, mag_w1, mag_b1, mag_w2, mag_b2, vel_w1, vel_b1, vel_w2, vel_b2, comp_w1, comp_b1, comp_w2, comp_b2):
    B, S = hours.shape
    # --- CircadianPatternEncoder ---
    hf = hours.reshape(-1)
    hour_emb = jnp.take(hour_table, hf, axis=0)
    hfl = hf.astype(jnp.float32)
    phase = jnp.stack([jnp.sin(2 * math.pi * hfl / 24.0), jnp.cos(2 * math.pi * hfl / 24.0)], axis=-1)
    cont = jax.nn.relu(phase @ circ_w1 + circ_b1) @ circ_w2 + circ_b2
    circ = jnp.concatenate([hour_emb, cont], axis=-1).reshape(B, S, -1)
    # --- DayOfWeekEncoder ---
    df = days.reshape(-1)
    day_emb = jnp.take(day_table, df, axis=0)
    is_wk = (df >= 5).astype(jnp.float32)[:, None]
    wk = is_wk @ wk_w + wk_b
    day_out = jnp.concatenate([day_emb, wk], axis=-1).reshape(B, S, -1)
    # --- TemporalDeltaEncoder ---
    dc = jnp.clip(deltas_hours, 0.0, 24.0)
    mins = dc * 60.0
    scales = jnp.where(mins < 5.0, 0, jnp.where(mins < 60.0, 1, 2))
    scale_emb = jnp.take(scale_table, scales.reshape(-1), axis=0).reshape(B, S, -1)
    logmag = jnp.log1p(dc / 24.0)[..., None]
    mag = jax.nn.relu(logmag @ mag_w1 + mag_b1) @ mag_w2 + mag_b2
    ang = 2 * math.pi * jnp.mod(mins, 60.0) / 60.0
    dphase = jnp.stack([jnp.sin(ang), jnp.cos(ang)], axis=-1)
    delta_out = jnp.concatenate([scale_emb, mag, dphase], axis=-1)
    # --- Velocity encoder ---
    v = velocities[..., None]
    vel_out = jax.nn.relu(v @ vel_w1 + vel_b1) @ vel_w2 + vel_b2
    # --- Composition (dropout is identity in eval) ---
    feats = jnp.concatenate([circ, day_out, delta_out, vel_out], axis=-1)
    out = jax.nn.relu(feats @ comp_w1 + comp_b1) @ comp_w2 + comp_b2
    return out

if __name__ == "__main__":
    import jax
    _d = setup_inputs()
    print(jax.jit(kernel)(*tuple(_d.values())))

</pallas_src>

<mosaic_0001>
module attributes {stable_mosaic.version = 14 : i64} {
  func.func @_scalars_kern(%arg0: memref<1600x128xf32, #tpu.memory_space<vmem>>, %arg1: memref<1600x128xf32, #tpu.memory_space<vmem>>, %arg2: memref<1600x128xf32, #tpu.memory_space<vmem>>, %arg3: memref<1600x128xf32, #tpu.memory_space<vmem>>, %arg4: memref<1600x128xi32, #tpu.memory_space<vmem>>) attributes {dimension_semantics = [], scalar_prefetch = 0 : i64, scratch_operands = 0 : i64, tpu.core_type = #tpu.core_type<tc>} {
    %get3A = arith.constant 0 : index
    %get3A_0 = arith.constant 0 : index
    %get3A_1 = vector.load %arg0[%get3A, %get3A_0] : memref<1600x128xf32, #tpu.memory_space<vmem>>, vector<1600x128xf32>
    %jit3A = arith.constant 0.000000e+00 : f32
    %jit3A_2 = arith.constant 2.400000e+01 : f32
    %max3A = vector.broadcast %jit3A : f32 to vector<1600x128xf32>
    %max3A_3 = arith.maximumf %max3A, %get3A_1 : vector<1600x128xf32>
    %min3A = vector.broadcast %jit3A_2 : f32 to vector<1600x128xf32>
    %min3A_4 = arith.minimumf %min3A, %max3A_3 : vector<1600x128xf32>
    %mul3A = arith.constant 6.000000e+01 : f32
    %mul3A_5 = vector.broadcast %mul3A : f32 to vector<1600x128xf32>
    %mul3A_6 = arith.mulf %min3A_4, %mul3A_5 : vector<1600x128xf32>
    %lt3A = arith.constant 5.000000e+00 : f32
    %lt3A_7 = vector.broadcast %lt3A : f32 to vector<1600x128xf32>
    %lt3A_8 = arith.cmpf olt, %mul3A_6, %lt3A_7 : vector<1600x128xf32>
    %lt3A_9 = arith.constant 6.000000e+01 : f32
    %lt3A_10 = vector.broadcast %lt3A_9 : f32 to vector<1600x128xf32>
    %lt3A_11 = arith.cmpf olt, %mul3A_6, %lt3A_10 : vector<1600x128xf32>
    %jit3A_12 = arith.constant 1 : i32
    %jit3A_13 = arith.constant 2 : i32
    %broadcast_in_dim3A = vector.broadcast %jit3A_12 : i32 to vector<1600x128xi32>
    %broadcast_in_dim3A_14 = vector.broadcast %jit3A_13 : i32 to vector<1600x128xi32>
    %select_n3A = arith.select %lt3A_11, %broadcast_in_dim3A, %broadcast_in_dim3A_14 : vector<1600x128xi1>, vector<1600x128xi32>
    %jit3A_15 = arith.constant 0 : i32
    %broadcast_in_dim3A_16 = vector.broadcast %jit3A_15 : i32 to vector<1600x128xi32>
    %select_n3A_17 = arith.select %lt3A_8, %broadcast_in_dim3A_16, %select_n3A : vector<1600x128xi1>, vector<1600x128xi32>
    %swap3A = arith.constant 0 : index
    %swap3A_18 = arith.constant 0 : index
    %swap3A_19 = vector.load %arg4[%swap3A, %swap3A_18] : memref<1600x128xi32, #tpu.memory_space<vmem>>, vector<1600x128xi32>
    tpu.vector_store %arg4[%swap3A, %swap3A_18], %select_n3A_17 {strides = array<i32>} : memref<1600x128xi32, #tpu.memory_space<vmem>>, vector<1600x128xi32>,
    %mul3A_20 = arith.constant 0.0416666679 : f32
    %mul3A_21 = vector.broadcast %mul3A_20 : f32 to vector<1600x128xf32>
    %mul3A_22 = arith.mulf %min3A_4, %mul3A_21 : vector<1600x128xf32>
    %log1p3A = math.log1p %mul3A_22 : vector<1600x128xf32>
    %swap3A_23 = arith.constant 0 : index
    %swap3A_24 = arith.constant 0 : index
    %swap3A_25 = vector.load %arg3[%swap3A_23, %swap3A_24] : memref<1600x128xf32, #tpu.memory_space<vmem>>, vector<1600x128xf32>
    tpu.vector_store %arg3[%swap3A_23, %swap3A_24], %log1p3A {strides = array<i32>} : memref<1600x128xf32, #tpu.memory_space<vmem>>, vector<1600x128xf32>,
    %mul3A_26 = arith.constant 0.0166666675 : f32
    %mul3A_27 = vector.broadcast %mul3A_26 : f32 to vector<1600x128xf32>
    %mul3A_28 = arith.mulf %mul3A_6, %mul3A_27 : vector<1600x128xf32>
    %floor3A = math.floor %mul3A_28 : vector<1600x128xf32>
    %mul3A_29 = arith.constant 6.000000e+01 : f32
    %mul3A_30 = vector.broadcast %mul3A_29 : f32 to vector<1600x128xf32>
    %mul3A_31 = arith.mulf %mul3A_30, %floor3A : vector<1600x128xf32>
    %sub3A = arith.subf %mul3A_6, %mul3A_31 : vector<1600x128xf32>
    %mul3A_32 = arith.constant 0.104719758 : f32
    %mul3A_33 = vector.broadcast %mul3A_32 : f32 to vector<1600x128xf32>
    %mul3A_34 = arith.mulf %sub3A, %mul3A_33 : vector<1600x128xf32>
    %add3A = arith.constant 1.57079637 : f32
    %add3A_35 = vector.broadcast %add3A : f32 to vector<1600x128xf32>
    %add3A_36 = arith.addf %mul3A_34, %add3A_35 : vector<1600x128xf32>
    %concatenate3A = tpu.concatenate %mul3A_34, %add3A_36 in 0 : vector<1600x128xf32>, vector<1600x128xf32> -> vector<3200x128xf32>
    %sin3A = math.sin %concatenate3A : vector<3200x128xf32>
    %slice3A = vector.extract_strided_slice %sin3A {offsets = [0, 0], sizes = [1600, 128], strides = [1, 1]} : vector<3200x128xf32> to vector<1600x128xf32>
    %swap3A_37 = arith.constant 0 : index
    %swap3A_38 = arith.constant 0 : index
    %swap3A_39 = vector.load %arg1[%swap3A_37, %swap3A_38] : memref<1600x128xf32, #tpu.memory_space<vmem>>, vector<1600x128xf32>
    tpu.vector_store %arg1[%swap3A_37, %swap3A_38], %slice3A {strides = array<i32>} : memref<1600x128xf32, #tpu.memory_space<vmem>>, vector<1600x128xf32>,
    %slice3A_40 = vector.extract_strided_slice %sin3A {offsets = [1600, 0], sizes = [1600, 128], strides = [1, 1]} : vector<3200x128xf32> to vector<1600x128xf32>
    %swap3A_41 = arith.constant 0 : index
    %swap3A_42 = arith.constant 0 : index
    %swap3A_43 = vector.load %arg2[%swap3A_41, %swap3A_42] : memref<1600x128xf32, #tpu.memory_space<vmem>>, vector<1600x128xf32>
    tpu.vector_store %arg2[%swap3A_41, %swap3A_42], %slice3A_40 {strides = array<i32>} : memref<1600x128xf32, #tpu.memory_space<vmem>>, vector<1600x128xf32>,
    return
  }
}

module attributes {stable_mosaic.version = 14 : i64} {
  func.func @_main_kern(%arg0: i32, %arg1: memref<1x8192xi32, #tpu.memory_space<vmem>>, %arg2: memref<1x8192xi32, #tpu.memory_space<vmem>>, %arg3: memref<1x8192xf32, #tpu.memory_space<vmem>>, %arg4: memref<1x8192xf32, #tpu.memory_space<vmem>>, %arg5: memref<1x8192xf32, #tpu.memory_space<vmem>>, %arg6: memref<1x8192xf32, #tpu.memory_space<vmem>>, %arg7: memref<1x8192xi32, #tpu.memory_space<vmem>>, %arg8: memref<24x32xf32, #tpu.memory_space<vmem>>, %arg9: memref<2x16xf32, #tpu.memory_space<vmem>>, %arg10: memref<1x16xf32, #tpu.memory_space<vmem>>, %arg11: memref<16x16xf32, #tpu.memory_space<vmem>>, %arg12: memref<1x16xf32, #tpu.memory_space<vmem>>, %arg13: memref<7x8xf32, #tpu.memory_space<vmem>>, %arg14: memref<1x8xf32, #tpu.memory_space<vmem>>, %arg15: memref<1x8xf32, #tpu.memory_space<vmem>>, %arg16: memref<3x5xf32, #tpu.memory_space<vmem>>, %arg17: memref<1x5xf32, #tpu.memory_space<vmem>>, %arg18: memref<1x5xf32, #tpu.memory_space<vmem>>, %arg19: memref<5x5xf32, #tpu.memory_space<vmem>>, %arg20: memref<1x5xf32, #tpu.memory_space<vmem>>, %arg21: memref<1x8xf32, #tpu.memory_space<vmem>>, %arg22: memref<1x8xf32, #tpu.memory_space<vmem>>, %arg23: memref<8x8xf32, #tpu.memory_space<vmem>>, %arg24: memref<1x8xf32, #tpu.memory_space<vmem>>, %arg25: memref<84x128xf32, #tpu.memory_space<vmem>>, %arg26: memref<1x128xf32, #tpu.memory_space<vmem>>, %arg27: memref<128x64xf32, #tpu.memory_space<vmem>>, %arg28: memref<1x64xf32, #tpu.memory_space<vmem>>, %arg29: memref<8192x64xf32, #tpu.memory_space<vmem>>) attributes {dimension_semantics = [#tpu.dimension_semantics<arbitrary>], iteration_bounds = array<i64: 25>, scalar_prefetch = 0 : i64, scratch_operands = 0 : i64, tpu.core_type = #tpu.core_type<tc>, window_params = [{transform_indices = @transform_0, window_bounds = array<i64: 1, 8192>}, {transform_indices = @transform_1, window_bounds = array<i64: 1, 8192>}, {transform_indices = @transform_2, window_bounds = array<i64: 1, 8192>}, {transform_indices = @transform_3, window_bounds = array<i64: 1, 8192>}, {transform_indices = @transform_4, window_bounds = array<i64: 1, 8192>}, {transform_indices = @transform_5, window_bounds = array<i64: 1, 8192>}, {transform_indices = @transform_6, window_bounds = array<i64: 1, 8192>}, {pipeline_mode = #tpu.pipeline_mode<synchronous>, transform_indices = @transform_7, window_bounds = array<i64: 24, 32>}, {pipeline_mode = #tpu.pipeline_mode<synchronous>, transform_indices = @transform_8, window_bounds = array<i64: 2, 16>}, {pipeline_mode = #tpu.pipeline_mode<synchronous>, transform_indices = @transform_9, window_bounds = array<i64: 1, 16>}, {pipeline_mode = #tpu.pipeline_mode<synchronous>, transform_indices = @transform_10, window_bounds = array<i64: 16, 16>}, {pipeline_mode = #tpu.pipeline_mode<synchronous>, transform_indices = @transform_11, window_bounds = array<i64: 1, 16>}, {pipeline_mode = #tpu.pipeline_mode<synchronous>, transform_indices = @transform_12, window_bounds = array<i64: 7, 8>}, {pipeline_mode = #tpu.pipeline_mode<synchronous>, transform_indices = @transform_13, window_bounds = array<i64: 1, 8>}, {pipeline_mode = #tpu.pipeline_mode<synchronous>, transform_indices = @transform_14, window_bounds = array<i64: 1, 8>}, {pipeline_mode = #tpu.pipeline_mode<synchronous>, transform_indices = @transform_15, window_bounds = array<i64: 3, 5>}, {pipeline_mode = #tpu.pipeline_mode<synchronous>, transform_indices = @transform_16, window_bounds = array<i64: 1, 5>}, {pipeline_mode = #tpu.pipeline_mode<synchronous>, transform_indices = @transform_17, window_bounds = array<i64: 1, 5>}, {pipeline_mode = #tpu.pipeline_mode<synchronous>, transform_indices = @transform_18, window_bounds = array<i64: 5, 5>}, {pipeline_mode = #tpu.pipeline_mode<synchronous>, transform_indices = @transform_19, window_bounds = array<i64: 1, 5>}, {pipeline_mode = #tpu.pipeline_mode<synchronous>, transform_indices = @transform_20, window_bounds = array<i64: 1, 8>}, {pipeline_mode = #tpu.pipeline_mode<synchronous>, transform_indices = @transform_21, window_bounds = array<i64: 1, 8>}, {pipeline_mode = #tpu.pipeline_mode<synchronous>, transform_indices = @transform_22, window_bounds = array<i64: 8, 8>}, {pipeline_mode = #tpu.pipeline_mode<synchronous>, transform_indices = @transform_23, window_bounds = array<i64: 1, 8>}, {pipeline_mode = #tpu.pipeline_mode<synchronous>, transform_indices = @transform_24, window_bounds = array<i64: 84, 128>}, {pipeline_mode = #tpu.pipeline_mode<synchronous>, transform_indices = @transform_25, window_bounds = array<i64: 1, 128>}, {pipeline_mode = #tpu.pipeline_mode<synchronous>, transform_indices = @transform_26, window_bounds = array<i64: 128, 64>}, {pipeline_mode = #tpu.pipeline_mode<synchronous>, transform_indices = @transform_27, window_bounds = array<i64: 1, 64>}, {transform_indices = @transform_28, window_bounds = array<i64: 8192, 64>}]} {
    %get3A = arith.constant 0 : index
    %get3A_0 = arith.constant 0 : index
    %get3A_1 = vector.load %arg8[%get3A, %get3A_0] : memref<24x32xf32, #tpu.memory_space<vmem>>, vector<24x32xf32>
    %get3A_2 = arith.constant 0 : index
    %get3A_3 = arith.constant 0 : index
    %get3A_4 = vector.load %arg9[%get3A_2, %get3A_3] : memref<2x16xf32, #tpu.memory_space<vmem>>, vector<2x16xf32>
    %get3A_5 = arith.constant 0 : index
    %get3A_6 = arith.constant 0 : index
    %get3A_7 = vector.load %arg10[%get3A_5, %get3A_6] : memref<1x16xf32, #tpu.memory_space<vmem>>, vector<1x16xf32>
    %get3A_8 = arith.constant 0 : index
    %get3A_9 = arith.constant 0 : index
    %get3A_10 = vector.load %arg11[%get3A_8, %get3A_9] : memref<16x16xf32, #tpu.memory_space<vmem>>, vector<16x16xf32>
    %get3A_11 = arith.constant 0 : index
    %get3A_12 = arith.constant 0 : index
    %get3A_13 = vector.load %arg12[%get3A_11, %get3A_12] : memref<1x16xf32, #tpu.memory_space<vmem>>, vector<1x16xf32>
    %get3A_14 = arith.constant 0 : index
    %get3A_15 = arith.constant 0 : index
    %get3A_16 = vector.load %arg13[%get3A_14, %get3A_15] : memref<7x8xf32, #tpu.memory_space<vmem>>, vector<7x8xf32>
    %get3A_17 = arith.constant 0 : index
    %get3A_18 = arith.constant 0 : index
    %get3A_19 = vector.load %arg14[%get3A_17, %get3A_18] : memref<1x8xf32, #tpu.memory_space<vmem>>, vector<1x8xf32>
    %get3A_20 = arith.constant 0 : index
    %get3A_21 = arith.constant 0 : index
    %get3A_22 = vector.load %arg15[%get3A_20, %get3A_21] : memref<1x8xf32, #tpu.memory_space<vmem>>, vector<1x8xf32>
    %get3A_23 = arith.constant 0 : index
    %get3A_24 = arith.constant 0 : index
    %get3A_25 = vector.load %arg16[%get3A_23, %get3A_24] : memref<3x5xf32, #tpu.memory_space<vmem>>, vector<3x5xf32>
    %get3A_26 = arith.constant 0 : index
    %get3A_27 = arith.constant 0 : index
    %get3A_28 = vector.load %arg19[%get3A_26, %get3A_27] : memref<5x5xf32, #tpu.memory_space<vmem>>, vector<5x5xf32>
    %get3A_29 = arith.constant 0 : index
    %get3A_30 = arith.constant 0 : index
    %get3A_31 = vector.load %arg20[%get3A_29, %get3A_30] : memref<1x5xf32, #tpu.memory_space<vmem>>, vector<1x5xf32>
    %get3A_32 = arith.constant 0 : index
    %get3A_33 = arith.constant 0 : index
    %get3A_34 = vector.load %arg23[%get3A_32, %get3A_33] : memref<8x8xf32, #tpu.memory_space<vmem>>, vector<8x8xf32>
    %get3A_35 = arith.constant 0 : index
    %get3A_36 = arith.constant 0 : index
    %get3A_37 = vector.load %arg24[%get3A_35, %get3A_36] : memref<1x8xf32, #tpu.memory_space<vmem>>, vector<1x8xf32>
    %get3A_38 = arith.constant 0 : index
    %get3A_39 = arith.constant 0 : index
    %get3A_40 = vector.load %arg25[%get3A_38, %get3A_39] : memref<84x128xf32, #tpu.memory_space<vmem>>, vector<84x128xf32>
    %get3A_41 = arith.constant 0 : index
    %get3A_42 = arith.constant 0 : index
    %get3A_43 = vector.load %arg26[%get3A_41, %get3A_42] : memref<1x128xf32, #tpu.memory_space<vmem>>, vector<1x128xf32>
    %iota3A = tpu.iota {dimensions = array<i32: 0>} : vector<24x1xi32>
    %convert_element_type3A = arith.sitofp %iota3A : vector<24x1xi32> to vector<24x1xf32>
    %mul3A = arith.constant 0.261799395 : f32
    %mul3A_44 = vector.broadcast %mul3A : f32 to vector<24x1xf32>
    %mul3A_45 = arith.mulf %mul3A_44, %convert_element_type3A : vector<24x1xf32>
    %sin3A = math.sin %mul3A_45 : vector<24x1xf32>
    %cos3A = math.cos %mul3A_45 : vector<24x1xf32>
    %concatenate3A = tpu.concatenate %sin3A, %cos3A in 1 : vector<24x1xf32>, vector<24x1xf32> -> vector<24x2xf32>
    %dot_general3A = arith.constant dense<0.000000e+00> : vector<24x16xf32>
    %dot_general3A_46 = tpu.matmul %concatenate3A, %get3A_4, %dot_general3A {dimension_numbers = #tpu.dot_dimension_numbers<[1], [0], [0], [1], [0, 0, 1, 1], [], []>, transpose_lhs_hint = false} : vector<24x2xf32>, vector<2x16xf32>, vector<24x16xf32> -> vector<24x16xf32>
    %add3A = vector.broadcast %get3A_7 : vector<1x16xf32> to vector<24x16xf32>
    %add3A_47 = arith.addf %dot_general3A_46, %add3A : vector<24x16xf32>
    %max3A = arith.constant 0.000000e+00 : f32
    %max3A_48 = vector.broadcast %max3A : f32 to vector<24x16xf32>
    %max3A_49 = arith.maximumf %add3A_47, %max3A_48 : vector<24x16xf32>
    %dot_general3A_50 = arith.constant dense<0.000000e+00> : vector<24x16xf32>
    %dot_general3A_51 = tpu.matmul %max3A_49, %get3A_10, %dot_general3A_50 {dimension_numbers = #tpu.dot_dimension_numbers<[1], [0], [0], [1], [0, 0, 1, 1], [], []>, transpose_lhs_hint = false} : vector<24x16xf32>, vector<16x16xf32>, vector<24x16xf32> -> vector<24x16xf32>
    %add3A_52 = vector.broadcast %get3A_13 : vector<1x16xf32> to vector<24x16xf32>
    %add3A_53 = arith.addf %dot_general3A_51, %add3A_52 : vector<24x16xf32>
    %concatenate3A_54 = tpu.concatenate %get3A_1, %add3A_53 in 1 : vector<24x32xf32>, vector<24x16xf32> -> vector<24x48xf32>
    %slice3A = vector.extract_strided_slice %get3A_40 {offsets = [0, 0], sizes = [48, 128], strides = [1, 1]} : vector<84x128xf32> to vector<48x128xf32>
    %dot_general3A_55 = arith.constant dense<0.000000e+00> : vector<24x128xf32>
    %dot_general3A_56 = tpu.matmul %concatenate3A_54, %slice3A, %dot_general3A_55 {dimension_numbers = #tpu.dot_dimension_numbers<[1], [0], [0], [1], [0, 0, 1, 1], [], []>, transpose_lhs_hint = false} : vector<24x48xf32>, vector<48x128xf32>, vector<24x128xf32> -> vector<24x128xf32>
    %iota3A_57 = tpu.iota {dimensions = array<i32: 0>} : vector<7x1xi32>
    %ge3A = arith.constant 5 : i32
    %ge3A_58 = vector.broadcast %ge3A : i32 to vector<7x1xi32>
    %ge3A_59 = arith.cmpi sge, %iota3A_57, %ge3A_58 : vector<7x1xi32>
    %convert_element_type3A_60 = arith.extui %ge3A_59 : vector<7x1xi1> to vector<7x1xi32>
    %convert_element_type3A_61 = arith.sitofp %convert_element_type3A_60 : vector<7x1xi32> to vector<7x1xf32>
    %dot_general3A_62 = arith.constant dense<0.000000e+00> : vector<7x8xf32>
    %dot_general3A_63 = tpu.matmul %convert_element_type3A_61, %get3A_19, %dot_general3A_62 {dimension_numbers = #tpu.dot_dimension_numbers<[1], [0], [0], [1], [0, 0, 1, 1], [], []>, transpose_lhs_hint = false} : vector<7x1xf32>, vector<1x8xf32>, vector<7x8xf32> -> vector<7x8xf32>
    %add3A_64 = vector.broadcast %get3A_22 : vector<1x8xf32> to vector<7x8xf32>
    %add3A_65 = arith.addf %dot_general3A_63, %add3A_64 : vector<7x8xf32>
    %concatenate3A_66 = tpu.concatenate %get3A_16, %add3A_65 in 1 : vector<7x8xf32>, vector<7x8xf32> -> vector<7x16xf32>
    %slice3A_67 = vector.extract_strided_slice %get3A_40 {offsets = [48, 0], sizes = [16, 128], strides = [1, 1]} : vector<84x128xf32> to vector<16x128xf32>
    %dot_general3A_68 = arith.constant dense<0.000000e+00> : vector<7x128xf32>
    %dot_general3A_69 = tpu.matmul %concatenate3A_66, %slice3A_67, %dot_general3A_68 {dimension_numbers = #tpu.dot_dimension_numbers<[1], [0], [0], [1], [0, 0, 1, 1], [], []>, transpose_lhs_hint = false} : vector<7x16xf32>, vector<16x128xf32>, vector<7x128xf32> -> vector<7x128xf32>
    %slice3A_70 = vector.extract_strided_slice %get3A_40 {offsets = [64, 0], sizes = [5, 128], strides = [1, 1]} : vector<84x128xf32> to vector<5x128xf32>
    %dot_general3A_71 = arith.constant dense<0.000000e+00> : vector<3x128xf32>
    %dot_general3A_72 = tpu.matmul %get3A_25, %slice3A_70, %dot_general3A_71 {dimension_numbers = #tpu.dot_dimension_numbers<[1], [0], [0], [1], [0, 0, 1, 1], [], []>, transpose_lhs_hint = false} : vector<3x5xf32>, vector<5x128xf32>, vector<3x128xf32> -> vector<3x128xf32>
    %slice3A_73 = vector.extract_strided_slice %get3A_40 {offsets = [69, 0], sizes = [5, 128], strides = [1, 1]} : vector<84x128xf32> to vector<5x128xf32>
    %dot_general3A_74 = arith.constant dense<0.000000e+00> : vector<5x128xf32>
    %dot_general3A_75 = tpu.matmul %get3A_28, %slice3A_73, %dot_general3A_74 {dimension_numbers = #tpu.dot_dimension_numbers<[1], [0], [0], [1], [0, 0, 1, 1], [], []>, transpose_lhs_hint = false} : vector<5x5xf32>, vector<5x128xf32>, vector<5x128xf32> -> vector<5x128xf32>
    %slice3A_76 = vector.extract_strided_slice %get3A_40 {offsets = [74, 0], sizes = [2, 128], strides = [1, 1]} : vector<84x128xf32> to vector<2x128xf32>
    %slice3A_77 = vector.extract_strided_slice %get3A_40 {offsets = [76, 0], sizes = [8, 128], strides = [1, 1]} : vector<84x128xf32> to vector<8x128xf32>
    %dot_general3A_78 = arith.constant dense<0.000000e+00> : vector<8x128xf32>
    %dot_general3A_79 = tpu.matmul %get3A_34, %slice3A_77, %dot_general3A_78 {dimension_numbers = #tpu.dot_dimension_numbers<[1], [0], [0], [1], [0, 0, 1, 1], [], []>, transpose_lhs_hint = false} : vector<8x8xf32>, vector<8x128xf32>, vector<8x128xf32> -> vector<8x128xf32>
    %concatenate3A_80 = tpu.concatenate %dot_general3A_56, %dot_general3A_69, %dot_general3A_72, %dot_general3A_75, %slice3A_76, %dot_general3A_79 in 0 : vector<24x128xf32>, vector<7x128xf32>, vector<3x128xf32>, vector<5x128xf32>, vector<2x128xf32>, vector<8x128xf32> -> vector<49x128xf32>
    %slice3A_81 = vector.extract_strided_slice %get3A_40 {offsets = [69, 0], sizes = [5, 128], strides = [1, 1]} : vector<84x128xf32> to vector<5x128xf32>
    %dot_general3A_82 = arith.constant dense<0.000000e+00> : vector<1x128xf32>
    %dot_general3A_83 = tpu.matmul %get3A_31, %slice3A_81, %dot_general3A_82 {dimension_numbers = #tpu.dot_dimension_numbers<[1], [0], [0], [1], [0, 0, 1, 1], [], []>, transpose_lhs_hint = false} : vector<1x5xf32>, vector<5x128xf32>, vector<1x128xf32> -> vector<1x128xf32>
    %add3A_84 = arith.addf %get3A_43, %dot_general3A_83 : vector<1x128xf32>
    %slice3A_85 = vector.extract_strided_slice %get3A_40 {offsets = [76, 0], sizes = [8, 128], strides = [1, 1]} : vector<84x128xf32> to vector<8x128xf32>
    %dot_general3A_86 = arith.constant dense<0.000000e+00> : vector<1x128xf32>
    %dot_general3A_87 = tpu.matmul %get3A_37, %slice3A_85, %dot_general3A_86 {dimension_numbers = #tpu.dot_dimension_numbers<[1], [0], [0], [1], [0, 0, 1, 1], [], []>, transpose_lhs_hint = false} : vector<1x8xf32>, vector<8x128xf32>, vector<1x128xf32> -> vector<1x128xf32>
    %add3A_88 = arith.addf %add3A_84, %dot_general3A_87 : vector<1x128xf32>
    %get3A_89 = arith.constant 0 : index
    %get3A_90 = arith.constant 0 : index
    %get3A_91 = vector.load %arg1[%get3A_89, %get3A_90] : memref<1x8192xi32, #tpu.memory_space<vmem>>, vector<1x8192xi32>
    %get3A_92 = arith.constant 0 : index
    %get3A_93 = arith.constant 0 : index
    %get3A_94 = vector.load %arg2[%get3A_92, %get3A_93] : memref<1x8192xi32, #tpu.memory_space<vmem>>, vector<1x8192xi32>
    %get3A_95 = arith.constant 0 : index
    %get3A_96 = arith.constant 0 : index
    %get3A_97 = vector.load %arg7[%get3A_95, %get3A_96] : memref<1x8192xi32, #tpu.memory_space<vmem>>, vector<1x8192xi32>
    %get3A_98 = arith.constant 0 : index
    %get3A_99 = arith.constant 0 : index
    %get3A_100 = vector.load %arg3[%get3A_98, %get3A_99] : memref<1x8192xf32, #tpu.memory_space<vmem>>, vector<1x8192xf32>
    %get3A_101 = arith.constant 0 : index
    %get3A_102 = arith.constant 0 : index
    %get3A_103 = vector.load %arg4[%get3A_101, %get3A_102] : memref<1x8192xf32, #tpu.memory_space<vmem>>, vector<1x8192xf32>
    %get3A_104 = arith.constant 0 : index
    %get3A_105 = arith.constant 0 : index
    %get3A_106 = vector.load %arg5[%get3A_104, %get3A_105] : memref<1x8192xf32, #tpu.memory_space<vmem>>, vector<1x8192xf32>
    %get3A_107 = arith.constant 0 : index
    %get3A_108 = arith.constant 0 : index
    %get3A_109 = vector.load %arg6[%get3A_107, %get3A_108] : memref<1x8192xf32, #tpu.memory_space<vmem>>, vector<1x8192xf32>
    %iota3A_110 = tpu.iota {dimensions = array<i32: 0>} : vector<24x8192xi32>
    %eq3A = vector.broadcast %get3A_91 : vector<1x8192xi32> to vector<24x8192xi32>
    %eq3A_111 = arith.cmpi eq, %iota3A_110, %eq3A : vector<24x8192xi32>
    %convert_element_type3A_112 = arith.extui %eq3A_111 : vector<24x8192xi1> to vector<24x8192xi32>
    %convert_element_type3A_113 = arith.sitofp %convert_element_type3A_112 : vector<24x8192xi32> to vector<24x8192xf32>
    %iota3A_114 = tpu.iota {dimensions = array<i32: 0>} : vector<7x8192xi32>
    %eq3A_115 = vector.broadcast %get3A_94 : vector<1x8192xi32> to vector<7x8192xi32>
    %eq3A_116 = arith.cmpi eq, %iota3A_114, %eq3A_115 : vector<7x8192xi32>
    %convert_element_type3A_117 = arith.extui %eq3A_116 : vector<7x8192xi1> to vector<7x8192xi32>
    %convert_element_type3A_118 = arith.sitofp %convert_element_type3A_117 : vector<7x8192xi32> to vector<7x8192xf32>
    %iota3A_119 = tpu.iota {dimensions = array<i32: 0>} : vector<3x8192xi32>
    %eq3A_120 = vector.broadcast %get3A_97 : vector<1x8192xi32> to vector<3x8192xi32>
    %eq3A_121 = arith.cmpi eq, %iota3A_119, %eq3A_120 : vector<3x8192xi32>
    %convert_element_type3A_122 = arith.extui %eq3A_121 : vector<3x8192xi1> to vector<3x8192xi32>
    %convert_element_type3A_123 = arith.sitofp %convert_element_type3A_122 : vector<3x8192xi32> to vector<3x8192xf32>
    %get3A_124 = arith.constant 0 : index
    %get3A_125 = arith.constant 0 : index
    %get3A_126 = vector.load %arg17[%get3A_124, %get3A_125] : memref<1x5xf32, #tpu.memory_space<vmem>>, vector<1x5xf32>
    %transpose3A = tpu.transpose %get3A_126, [1, 0] : vector<1x5xf32> -> vector<5x1xf32>
    %mul3A_127 = vector.broadcast %get3A_109 : vector<1x8192xf32> to vector<5x8192xf32>
    %mul3A_128 = vector.broadcast %transpose3A : vector<5x1xf32> to vector<5x8192xf32>
    %mul3A_129 = arith.mulf %mul3A_127, %mul3A_128 : vector<5x8192xf32>
    %get3A_130 = arith.constant 0 : index
    %get3A_131 = arith.constant 0 : index
    %get3A_132 = vector.load %arg18[%get3A_130, %get3A_131] : memref<1x5xf32, #tpu.memory_space<vmem>>, vector<1x5xf32>
    %transpose3A_133 = tpu.transpose %get3A_132, [1, 0] : vector<1x5xf32> -> vector<5x1xf32>
    %add3A_134 = vector.broadcast %transpose3A_133 : vector<5x1xf32> to vector<5x8192xf32>
    %add3A_135 = arith.addf %mul3A_129, %add3A_134 : vector<5x8192xf32>
    %max3A_136 = arith.constant 0.000000e+00 : f32
    %max3A_137 = vector.broadcast %max3A_136 : f32 to vector<5x8192xf32>
    %max3A_138 = arith.maximumf %add3A_135, %max3A_137 : vector<5x8192xf32>
    %get3A_139 = arith.constant 0 : index
    %get3A_140 = arith.constant 0 : index
    %get3A_141 = vector.load %arg21[%get3A_139, %get3A_140] : memref<1x8xf32, #tpu.memory_space<vmem>>, vector<1x8xf32>
    %transpose3A_142 = tpu.transpose %get3A_141, [1, 0] : vector<1x8xf32> -> vector<8x1xf32>
    %mul3A_143 = vector.broadcast %get3A_100 : vector<1x8192xf32> to vector<8x8192xf32>
    %mul3A_144 = vector.broadcast %transpose3A_142 : vector<8x1xf32> to vector<8x8192xf32>
    %mul3A_145 = arith.mulf %mul3A_143, %mul3A_144 : vector<8x8192xf32>
    %get3A_146 = arith.constant 0 : index
    %get3A_147 = arith.constant 0 : index
    %get3A_148 = vector.load %arg22[%get3A_146, %get3A_147] : memref<1x8xf32, #tpu.memory_space<vmem>>, vector<1x8xf32>
    %transpose3A_149 = tpu.transpose %get3A_148, [1, 0] : vector<1x8xf32> -> vector<8x1xf32>
    %add3A_150 = vector.broadcast %transpose3A_149 : vector<8x1xf32> to vector<8x8192xf32>
    %add3A_151 = arith.addf %mul3A_145, %add3A_150 : vector<8x8192xf32>
    %max3A_152 = arith.constant 0.000000e+00 : f32
    %max3A_153 = vector.broadcast %max3A_152 : f32 to vector<8x8192xf32>
    %max3A_154 = arith.maximumf %add3A_151, %max3A_153 : vector<8x8192xf32>
    %concatenate3A_155 = tpu.concatenate %convert_element_type3A_113, %convert_element_type3A_118, %convert_element_type3A_123, %max3A_138, %get3A_103, %get3A_106, %max3A_154 in 0 : vector<24x8192xf32>, vector<7x8192xf32>, vector<3x8192xf32>, vector<5x8192xf32>, vector<1x8192xf32>, vector<1x8192xf32>, vector<8x8192xf32> -> vector<49x8192xf32>
    %dot_general3A_156 = arith.constant dense<0.000000e+00> : vector<8192x128xf32>
    %dot_general3A_157 = tpu.matmul %concatenate3A_155, %concatenate3A_80, %dot_general3A_156 {dimension_numbers = #tpu.dot_dimension_numbers<[0], [0], [1], [1], [0, 1, 1, 1], [], []>, transpose_lhs_hint = false} : vector<49x8192xf32>, vector<49x128xf32>, vector<8192x128xf32> -> vector<8192x128xf32>
    %add3A_158 = vector.broadcast %add3A_88 : vector<1x128xf32> to vector<8192x128xf32>
    %add3A_159 = arith.addf %dot_general3A_157, %add3A_158 : vector<8192x128xf32>
    %max3A_160 = arith.constant 0.000000e+00 : f32
    %max3A_161 = vector.broadcast %max3A_160 : f32 to vector<8192x128xf32>
    %max3A_162 = arith.maximumf %add3A_159, %max3A_161 : vector<8192x128xf32>
    %get3A_163 = arith.constant 0 : index
    %get3A_164 = arith.constant 0 : index
    %get3A_165 = vector.load %arg27[%get3A_163, %get3A_164] : memref<128x64xf32, #tpu.memory_space<vmem>>, vector<128x64xf32>
    %dot_general3A_166 = arith.constant dense<0.000000e+00> : vector<8192x64xf32>
    %dot_general3A_167 = tpu.matmul %max3A_162, %get3A_165, %dot_general3A_166 {dimension_numbers = #tpu.dot_dimension_numbers<[1], [0], [0], [1], [0, 0, 1, 1], [], []>, transpose_lhs_hint = false} : vector<8192x128xf32>, vector<128x64xf32>, vector<8192x64xf32> -> vector<8192x64xf32>
    %get3A_168 = arith.constant 0 : index
    %get3A_169 = arith.constant 0 : index
    %get3A_170 = vector.load %arg28[%get3A_168, %get3A_169] : memref<1x64xf32, #tpu.memory_space<vmem>>, vector<1x64xf32>
    %add3A_171 = vector.broadcast %get3A_170 : vector<1x64xf32> to vector<8192x64xf32>
    %add3A_172 = arith.addf %dot_general3A_167, %add3A_171 : vector<8192x64xf32>
    %swap3A = arith.constant 0 : index
    %swap3A_173 = arith.constant 0 : index
    %swap3A_174 = vector.load %arg29[%swap3A, %swap3A_173] : memref<8192x64xf32, #tpu.memory_space<vmem>>, vector<8192x64xf32>
    tpu.vector_store %arg29[%swap3A, %swap3A_173], %add3A_172 {strides = array<i32>} : memref<8192x64xf32, #tpu.memory_space<vmem>>, vector<8192x64xf32>,
    return
  }
  func.func @transform_0(%arg0: i32) -> (i32, i32) {
    %c0_i32 = arith.constant 0 : i32
    %c0_i32_0 = arith.constant 0 : i32
    return %c0_i32, %arg0 : i32, i32
  }
  func.func @transform_1(%arg0: i32) -> (i32, i32) {
    %c0_i32 = arith.constant 0 : i32
    %c0_i32_0 = arith.constant 0 : i32
    return %c0_i32, %arg0 : i32, i32
  }
  func.func @transform_2(%arg0: i32) -> (i32, i32) {
    %c0_i32 = arith.constant 0 : i32
    %c0_i32_0 = arith.constant 0 : i32
    return %c0_i32, %arg0 : i32, i32
  }
  func.func @transform_3(%arg0: i32) -> (i32, i32) {
    %c0_i32 = arith.constant 0 : i32
    %c0_i32_0 = arith.constant 0 : i32
    return %c0_i32, %arg0 : i32, i32
  }
  func.func @transform_4(%arg0: i32) -> (i32, i32) {
    %c0_i32 = arith.constant 0 : i32
    %c0_i32_0 = arith.constant 0 : i32
    return %c0_i32, %arg0 : i32, i32
  }
  func.func @transform_5(%arg0: i32) -> (i32, i32) {
    %c0_i32 = arith.constant 0 : i32
    %c0_i32_0 = arith.constant 0 : i32
    return %c0_i32, %arg0 : i32, i32
  }
  func.func @transform_6(%arg0: i32) -> (i32, i32) {
    %c0_i32 = arith.constant 0 : i32
    %c0_i32_0 = arith.constant 0 : i32
    return %c0_i32, %arg0 : i32, i32
  }
  func.func @transform_7(%arg0: i32) -> (i32, i32) {
    %c0_i32 = arith.constant 0 : i32
    %c0_i32_0 = arith.constant 0 : i32
    %c0_i32_1 = arith.constant 0 : i32
    return %c0_i32, %c0_i32_0 : i32, i32
  }
  func.func @transform_8(%arg0: i32) -> (i32, i32) {
    %c0_i32 = arith.constant 0 : i32
    %c0_i32_0 = arith.constant 0 : i32
    %c0_i32_1 = arith.constant 0 : i32
    return %c0_i32, %c0_i32_0 : i32, i32
  }
  func.func @transform_9(%arg0: i32) -> (i32, i32) {
    %c0_i32 = arith.constant 0 : i32
    %c0_i32_0 = arith.constant 0 : i32
    %c0_i32_1 = arith.constant 0 : i32
    return %c0_i32, %c0_i32_0 : i32, i32
  }
  func.func @transform_10(%arg0: i32) -> (i32, i32) {
    %c0_i32 = arith.constant 0 : i32
    %c0_i32_0 = arith.constant 0 : i32
    %c0_i32_1 = arith.constant 0 : i32
    return %c0_i32, %c0_i32_0 : i32, i32
  }
  func.func @transform_11(%arg0: i32) -> (i32, i32) {
    %c0_i32 = arith.constant 0 : i32
    %c0_i32_0 = arith.constant 0 : i32
    %c0_i32_1 = arith.constant 0 : i32
    return %c0_i32, %c0_i32_0 : i32, i32
  }
  func.func @transform_12(%arg0: i32) -> (i32, i32) {
    %c0_i32 = arith.constant 0 : i32
    %c0_i32_0 = arith.constant 0 : i32
    %c0_i32_1 = arith.constant 0 : i32
    return %c0_i32, %c0_i32_0 : i32, i32
  }
  func.func @transform_13(%arg0: i32) -> (i32, i32) {
    %c0_i32 = arith.constant 0 : i32
    %c0_i32_0 = arith.constant 0 : i32
    %c0_i32_1 = arith.constant 0 : i32
    return %c0_i32, %c0_i32_0 : i32, i32
  }
  func.func @transform_14(%arg0: i32) -> (i32, i32) {
    %c0_i32 = arith.constant 0 : i32
    %c0_i32_0 = arith.constant 0 : i32
    %c0_i32_1 = arith.constant 0 : i32
    return %c0_i32, %c0_i32_0 : i32, i32
  }
  func.func @transform_15(%arg0: i32) -> (i32, i32) {
    %c0_i32 = arith.constant 0 : i32
    %c0_i32_0 = arith.constant 0 : i32
    %c0_i32_1 = arith.constant 0 : i32
    return %c0_i32, %c0_i32_0 : i32, i32
  }
  func.func @transform_16(%arg0: i32) -> (i32, i32) {
    %c0_i32 = arith.constant 0 : i32
    %c0_i32_0 = arith.constant 0 : i32
    %c0_i32_1 = arith.constant 0 : i32
    return %c0_i32, %c0_i32_0 : i32, i32
  }
  func.func @transform_17(%arg0: i32) -> (i32, i32) {
    %c0_i32 = arith.constant 0 : i32
    %c0_i32_0 = arith.constant 0 : i32
    %c0_i32_1 = arith.constant 0 : i32
    return %c0_i32, %c0_i32_0 : i32, i32
  }
  func.func @transform_18(%arg0: i32) -> (i32, i32) {
    %c0_i32 = arith.constant 0 : i32
    %c0_i32_0 = arith.constant 0 : i32
    %c0_i32_1 = arith.constant 0 : i32
    return %c0_i32, %c0_i32_0 : i32, i32
  }
  func.func @transform_19(%arg0: i32) -> (i32, i32) {
    %c0_i32 = arith.constant 0 : i32
    %c0_i32_0 = arith.constant 0 : i32
    %c0_i32_1 = arith.constant 0 : i32
    return %c0_i32, %c0_i32_0 : i32, i32
  }
  func.func @transform_20(%arg0: i32) -> (i32, i32) {
    %c0_i32 = arith.constant 0 : i32
    %c0_i32_0 = arith.constant 0 : i32
    %c0_i32_1 = arith.constant 0 : i32
    return %c0_i32, %c0_i32_0 : i32, i32
  }
  func.func @transform_21(%arg0: i32) -> (i32, i32) {
    %c0_i32 = arith.constant 0 : i32
    %c0_i32_0 = arith.constant 0 : i32
    %c0_i32_1 = arith.constant 0 : i32
    return %c0_i32, %c0_i32_0 : i32, i32
  }
  func.func @transform_22(%arg0: i32) -> (i32, i32) {
    %c0_i32 = arith.constant 0 : i32
    %c0_i32_0 = arith.constant 0 : i32
    %c0_i32_1 = arith.constant 0 : i32
    return %c0_i32, %c0_i32_0 : i32, i32
  }
  func.func @transform_23(%arg0: i32) -> (i32, i32) {
    %c0_i32 = arith.constant 0 : i32
    %c0_i32_0 = arith.constant 0 : i32
    %c0_i32_1 = arith.constant 0 : i32
    return %c0_i32, %c0_i32_0 : i32, i32
  }
  func.func @transform_24(%arg0: i32) -> (i32, i32) {
    %c0_i32 = arith.constant 0 : i32
    %c0_i32_0 = arith.constant 0 : i32
    %c0_i32_1 = arith.constant 0 : i32
    return %c0_i32, %c0_i32_0 : i32, i32
  }
  func.func @transform_25(%arg0: i32) -> (i32, i32) {
    %c0_i32 = arith.constant 0 : i32
    %c0_i32_0 = arith.constant 0 : i32
    %c0_i32_1 = arith.constant 0 : i32
    return %c0_i32, %c0_i32_0 : i32, i32
  }
  func.func @transform_26(%arg0: i32) -> (i32, i32) {
    %c0_i32 = arith.constant 0 : i32
    %c0_i32_0 = arith.constant 0 : i32
    %c0_i32_1 = arith.constant 0 : i32
    return %c0_i32, %c0_i32_0 : i32, i32
  }
  func.func @transform_27(%arg0: i32) -> (i32, i32) {
    %c0_i32 = arith.constant 0 : i32
    %c0_i32_0 = arith.constant 0 : i32
    %c0_i32_1 = arith.constant 0 : i32
    return %c0_i32, %c0_i32_0 : i32, i32
  }
  func.func @transform_28(%arg0: i32) -> (i32, i32) {
    %c0_i32 = arith.constant 0 : i32
    %c0_i32_0 = arith.constant 0 : i32
    return %arg0, %c0_i32 : i32, i32
  }
}

</mosaic_0001>

<sc_bundles>
// kernel: sparse-core-data-format-call.cloned.1.call-start
scs
called_computation_lowered:
.L_overlay_start_0:
0x0: {  	s2 =	sld [smem:$0x3FD9]  }
0x1: {  	s3 =	sld [smem:$0x3FFE];
	_ =	sdelay $0x1  }
0x2: {  	s1 =	srdreg.scid  }
0x3: {  	s0 =	sand.u32 $0x1, s1  }
0x4: {  	s18 =	sshll.u32 s0, $0xA;
	s2 =	sadd.s32 s3, s2  }
0x5: {  	s2 =	sadd.s32 s2, s18  }
0x6: {  	[smem:$0x3FAF] =	sst s2  }
0x7: {  	_ = 	snop  }
0x8: {  	s2 =	sld [smem:$0x3FD0];
	(tm) =	ssettm $0x1  }
0x9: {  	s19 =	sld [smem:$0x3FFB];
	_ =	sdelay $0x3  }
0xa: {  	_ =	strace s19  }
0xb: {  	s3 =	sld [smem:$0x3FFC];
	_ =	sdelay $0x3  }
0xc: {  	_ =	strace s3  }
0xd: {  	s3 =	sld [smem:$0x3FFD];
	_ =	sdelay $0x3  }
0xe: {  	_ =	strace s3  }
0xf: {  	_ =	strace $0x8FFFFFFF  }
0x10: {  	s20 =	sld [smem:$0x3FDB];
	_ =	sdelay $0x1  }
0x11: {  	s4 =	simm.s32 $_scs_section_size  }
0x12: {  	s5 =	simm.s32 $_size__tile_overlayer_lowered;
	s6 =	simm.s32 $_tile_overlayer_lowered  }
0x13: {  	s23 =	simm.s32 $0x1BFF;
	s22 =	sshll.u32 s6, $0x1;
	s3 =	sadd.s32 s4, s20  }
0x14: {  	s7 =	simm.s32 $0x0;
	s21 =	sshll.u32 s5, $0x1;
	s5 =	sadd.s32 s22, s3  }
0x15: {  	[timem:s7], [sflag:s23] =	dma.local [hbm:s5], s21  }
0x16: {  	_ =	swait.ge [sflag:s23], s21  }
0x17: {  	s4 =	ssub.s32 $0x0, s21;
	[sflag:s23] =	ssyncset.done $0x0  }
0x18: {  	[sflag:s23] =	ssyncadd.s32 s4;
	_ =	sdelay $0x1  }
0x19: {  	s24 =	simm.s32 $0x1B8B  }
0x1a: {  	_ =	swait.ge [sflag:s24], $0x1  }
0x1b: {  	[sflag:s24] =	ssyncset.done $0x0  }
0x1c: {  	s26 =	simm.s32 $0x1B8E;
	s25 =	sld [smem:$0x3FFE];
	[sflag:s24] =	ssyncadd.s32 $0xFFFFFFFF  }
0x1d: {  	s27 =	simm.s32 $execute0_lowered;
	[smem:$0x3FD2] =	sst s26  }
0x1e: {  	s5 =	sshll.u32 s27, $0x1;
	_ =	strace $0x80000046;
	[dreg:$0x1] =	wrdreg $0xFFFFFFFF  }
0x1f: {  	s28 =	simm.s32 $_size_execute0_lowered;
	s3 =	sadd.s32 s3, s5;
	[dreg:$0x0] =	wrdreg $0x0  }
0x20: {  	s5 =	sshll.u32 s28, $0x1;
	[dreg:$0x2] =	wrdreg s3  }
0x21: {  	[dreg:$0x3] =	wrdreg s5  }
0x22: {  	[dreg:$0x4] =	wrdreg $0xC0  }
0x23: {  	_ =	task [dreg:s7], $0x5FFFF  }
0x24: {  	[dreg:$0x1] =	wrdreg $0xFFFFFFFF  }
0x25: {  	[dreg:$0x0] =	wrdreg $0x60  }
0x26: {  	[dreg:$0x2] =	wrdreg s25  }
0x27: {  	[dreg:$0x3] =	wrdreg s2  }
0x28: {  	[dreg:$0x4] =	wrdreg $0x9  }
0x29: {  	_ =	task.clear_ibuf [dreg:s7], $0x5FFFF;
	_ =	strace $0x90000046  }
0x2a: {  	s29 =	simm.s32 $0x9;
	_ =	strace $0x80000048  }
0x2b: {  	_ =	swait.ge [sflag:s29], $0x1  }
0x2c: {  	[sflag:s29] =	ssyncadd.s32 $0xFFFFFFFF  }
0x2d: {  	_ =	strace $0x90000048  }
0x2e: {  	_ =	sfence  }
0x2f: {  	s30 =	sld [smem:$0x0];
	_ =	sdelay $0x2  }
0x30: {  	s31 =	sshll.u32 s1, $0xD;
	s1 =	sshrl.u32 s1, $0x2  }
0x31: {  	s3 =	sand.u32 $0x4000, s31;
	s1 =	sadd.s32 s1, s30  }
0x32: {  	s0 =	sor.u32 s3, s0;
	s1 =	sshll.u32 s1, $0x11  }
0x33: {  	s0 =	sor.u32 s1, s0  }
0x34: {  	s0 =	sadd.s32 $0x8F2B, s0  }
0x35: {  	[sflag:s0] =	ssyncadd.remote.s32 $0x1  }
0x36: {  	_ =	sfence.sel $0xFFFF  }
0x37: {  	[dreg:$0x0] =	wrdreg $0xFFFFFFFF;
	(pc) =	sbr.abs _section_cstart, $3  }
0x38: {  	[dreg:$0x1] =	wrdreg $0xFFFFFFFF  }
0x39: {  	_ =	task.clear_ibuf [dreg:s7], $0x2FFFF;
	_ =	strace $0x9FFFFFFF  }
0x3a: {  	(tm) =	ssettm $0x7FFFFFFF  }
0x3b: {  	_ =	shalt  }
tec
execute0_lowered:
.L_overlay_start_1:
0x0: {  	(tag) =	ssettag $0x1  }
0x1: {  	s0 =	srdreg.scid  }
0x2: {  	s1 =	sshll.u32 s0, $0x4  }
0x3: {  	s0 =	stileid.u32;
	s1 =	sand.u32 $0x10, s1  }
0x4: {  	s1 =	sor.u32 s0, s1  }
0x5: {  	s6 =	rddreg [dreg:$0x0];
	s4 =	simm.s32 $0x1;
	s2 =	sshll.u32 s1, $0x7  }
0x6: {  	s7 =	simm.s32 $0x2;
	s12 =	simm.s32 $0x0;
	s1 =	ssub.s32 $0x1000, s2  }
0x7: {  	s8 =	simm.s32 $0x8000;
	s13 =	simm.s32 $0x0;
	s3 =	sand.u32 $0xF80, s1  }
0x8: {  	s9 =	simm.s32 $0x0;
	s5 =	sshrl.u32 s1, $0xC;
	p0 =	sne.s32 s3, $0x0  }
.Ltmp0:
0x9: {  	s1 =	rddreg [dreg:$0x2];
	s4 =	simm.s32 @!p0 $0x0;
	(pc) =	sbr.rel .LBB1_1-.Ltmp0, $4  }
0xa: {  	s11 =	simm.s32 $0x0;
	s3 =	rddreg [dreg:$0x1];
	s5 =	sadd.s32 s4, s5  }
0xb: {  	_ =	strace $0x80000047;
	s4 =	simm.s32 $0x1;
	s5 =	smul.u32 $0x32, s5  }
0xc: {  	s6 =	sadd.s32 $0x323400, s6;
	s10 =	smov.u32 s2;
	[sflag:s4] =	ssyncpa.u1 $0x0  }
0xd: {  	p0 =	por $0x0, $0x0;
	[sflag:s7] =	ssyncpa.u1 $0x0;
	s7 =	sor.u32 $0x1, s5  }
.LBB1_4:
0xe: {  	s16 =	sshll.u32 s13, $0x3;
	s17 =	sand.u32 $0x78, s13  }
0xf: {  	s30 =	sand.u32 $0x7E00, s13;
	s12 =	sshll.u32 s12, $0xF;
	s16 =	sand.u32 $0xC00, s16  }
0x10: {  	[tilespmem:s15+$0x810 ss:$0x81] =	vst.msk $0xffff, v2;
	s31 =	sand.u32 $0x7, s13;
	s16 =	sor.u32 s17, s16;
	s17 =	sadd.s32 s3, s30  }
0x11: {  	[tilespmem:s15+$0x1020 ss:$0x81] =	vst.msk $0xffff, v0;
	s13 =	sshll.u32 s31, $0x12;
	s12 =	sadd.s32 s12, s17;
	s16 =	sshrl.u32 s16, $0x3  }
0x12: {  	[tilespmem:s15+$0x0 ss:$0x81] =	vst.msk $0xffff, v1;
	s13 =	sor.u32 $0x400, s13;
	s12 =	sadd.s32 s16, s12  }
0x13: {  	[hbm4b:s12+s13] =	stream.strided.scatter [tilespmem:s14], [sflag:$0x2], $0x2000, s8, s13, $0x20;
	[tilespmem:$0x8080] =	vst v63  }
.LBB1_5:
0x14: {  	s14 =	sadd.s32 $0x1, s9  }
0x15: {  	s12 =	sadd.s32 $0x1000, s10;
	s16 =	smov.u32 s10;
	p2 =	sgt.s32 s14, $0x31  }
0x16: {  	s16 =	smov.u32 @p2 s12  }
0x17: {  	s14 =	simm.s32 @p2 $0x0;
	p2 =	sgt.s32 s16, $0xFFF  }
0x18: {  	s16 =	smov.u32 @p2 s2;
	p2 =	sne.s32 s11, s7  }
.Ltmp1:
0x19: {  	p1 =	slt.u32 s11, $0x2;
	(pc) =	sbr.rel @!p2 .LBB1_6-.Ltmp1, $4  }
0x1a: {  	s15 =	simm.s32 @!p1 $0x2  }
0x1b: {  	s13 =	smov.u32 s10;
	p0 =	por !p0, !p0;
	_ =	swait.ge @!p1 [sflag:s15], $0x2000  }
0x1c: {  	s12 =	smov.u32 s9;
	[sflag:s15] =	ssyncset.done @!p1 $0x0;
	s9 =	smov.u32 s14  }
0x1d: {  	s11 =	sadd.s32 $0x1, s11;
	[sflag:s15] =	ssyncadd.s32 @!p1 $0xFFFFE000;
	s10 =	smov.u32 s16  }
.LBB1_1:
0x1e: {  	p1 =	sge.u32 s11, s5  }
0x1f: {  	s14 =	sand.u32 @!p1 $0x1FFFFFF, s9  }
0x20: {  	s15 =	smulhi.u32 @!p1 $0x4924925, s14;
	_ =	sdelay $0x1  }
0x21: {  	s15 =	smul.u32 @!p1 $0x38, s15  }
0x22: {  	s16 =	sxor.u32 @!p1 $0xFFFFFFFF, s11;
	s17 =	smul.u32 @!p1 $0x380, s10  }
0x23: {  	s31 =	sadd.s32 $0xFFFFFFFF, s11;
	s16 =	sshll.u32 @!p1 s16, $0xD;
	s14 =	ssub.s32 @!p1 s14, s15  }
0x24: {  	s15 =	sand.u32 @!p1 $0x2000, s16;
	s16 =	sadd.s32 @!p1 s6, s17;
	s14 =	sshll.u32 @!p1 s14, $0x4  }
0x25: {  	s17 =	simm.s32 @!p1 $0x1C00;
	s14 =	sadd.s32 @!p1 s14, s16;
	s16 =	simm.s32 @!p1 $0x40  }
0x26: {  	[tilespmem:s15], [sflag:$0x1] =	stream.strided.gather @!p1 [hbm4b:s14+s16], $0x2000, s17, s16, $0x38;
	[tilespmem:$0x8080] =	vst v63  }
0x27: {  	p1 =	sge.u32 s31, s5  }
.Ltmp2:
0x28: {  	_ = 	snop;
	(pc) =	sbr.rel @p1 .LBB1_5-.Ltmp2, $1  }
0x29: {  	_ =	sdelay $0x3  }
0x2a: {  	s14 =	simm.s32 $0x1  }
0x2b: {  	_ =	swait.ge [sflag:s4], $0x2000;
	s14 =	simm.s32 @!p0 $0x0  }
0x2c: {  	[sflag:s4] =	ssyncset.done $0x0;
	s15 =	sshll.u32 s14, $0xD  }
0x2d: {  	[sflag:s4] =	ssyncadd.s32 $0xFFFFE000;
	s18 =	sor.u32 $0x20, s15  }
0x2e: {  	s14 =	smul.u32 $0x8100, s14;
	v3 =	vld [tilespmem:s18+$0x10]  }
0x2f: {  	s30 =	sand.u32 $0x1, s11;
	v2 =	vld [tilespmem:s18+$0xFFFFFFF0]  }
0x30: {  	s15 =	smul.u32 $0x8100, s30;
	s14 =	sshrl.u32 s14, $0x2;
	v0 =	vld [tilespmem:s18+$0x0]  }
0x31: {  	v1 =	vld [tilespmem:s18+$0xFFFFFFE0];
	s16 =	sor.u32 $0x4000, s14  }
0x32: {  	s31 =	sshrl.u32 s15, $0x2;
	s15 =	sadd.s32 $0x0, s16  }
0x33: {  	s17 =	simm.s32 $0x4;
	s18 =	sadd.s32 $0x40, s18;
	s14 =	sor.u32 $0x4000, s31;
	[tilespmem:s15+$0x1830 ss:$0x81] =	vst.msk $0xffff, v3  }
.LBB1_3:
0x34: {  	v3 =	vld [tilespmem:s18+$0x10];
	p1 =	sne.s32 s17, $0x1FC;
	[tilespmem:s15+$0x810 ss:$0x81] =	vst.msk $0xffff, v2;
	s19 =	smov.u32 s17;
	s17 =	sadd.s32 $0x4, s17  }
.Ltmp3:
0x35: {  	v2 =	vld [tilespmem:s18+$0xFFFFFFF0];
	[tilespmem:s15+$0x1020 ss:$0x81] =	vst.msk $0xffff, v0;
	(pc) =	sbr.rel @p1 .LBB1_3-.Ltmp3, $4  }
0x36: {  	v0 =	vld [tilespmem:s18+$0x0];
	[tilespmem:s15+$0x0 ss:$0x81] =	vst.msk $0xffff, v1  }
0x37: {  	s15 =	sshra.s32 s19, $0x2;
	v1 =	vld [tilespmem:s18+$0xFFFFFFE0]  }
0x38: {  	s15 =	sadd.s32 s15, s16  }
0x39: {  	s18 =	sadd.s32 $0x40, s18;
	[tilespmem:s15+$0x1830 ss:$0x81] =	vst.msk $0xffff, v3  }
.Ltmp4:
0x3a: {  	_ = 	snop;
	(pc) =	sbr.rel .LBB1_4-.Ltmp4, $1  }
0x3b: {  	_ =	sdelay $0x3  }
.LBB1_6:
0x3c: {  	_ =	sfence.sel $0x180000  }
0x3d: {  	s2 =	simm.s32 $0x1;
	[bflag:$0x0] =	sbarrier.arrive $0xFFFF  }
0x3e: {  	s31 =	simm.s32 $0x2;
	[sflag:s2] =	ssyncpa.u1 $0x1  }
0x3f: {  	[sflag:s31] =	ssyncpa.u1 $0x1  }
0x40: {  	p0 =	sne.s32 s0, $0x0;
	_ =	strace $0x90000047  }
0x41: {  	s0 =	sadd.s32 @!p0 $0x100000, s1;
	[bflag:$0x2] =	sbarrier.arrive $0xFFFF  }
0x42: {  	[sflag:s0] =	ssyncadd.tile.s32 @!p0 $0x1;
	_ =	shalt  }
.Lfunc_end1:
_tile_overlayer_lowered:
.L_overlay_start_2:
0x43: {  	(tag) =	ssettag $0x2  }
0x44: {  	s0 =	rddreg [dreg:$0x0];
	s2 =	stileid.u32  }
0x45: {  	s1 =	rddreg [dreg:$0x1];
	p0 =	sne.s32 s2, $0x0  }
0x46: {  	s3 =	rddreg [dreg:$0x2];
	[bflag:$0x3] =	sbarrier.arrive $0xFFFF;
	s2 =	simm.s32 @!p0 $0x1C01  }
0x47: {  	[timem:s3], [sflag:s2] =	dma.local @!p0 [hbm:s0], s1  }
0x48: {  	s0 =	simm.s32 @!p0 $0x1  }
0x49: {  	_ =	swait.ge @!p0 [sflag:s0], s1  }
0x4a: {  	s1 =	ssub.s32 @!p0 $0x0, s1;
	[sflag:s0] =	ssyncset.done @!p0 $0x0  }
0x4b: {  	[sflag:s0] =	ssyncadd.s32 @!p0 s1  }
0x4c: {  	[bflag:$0x3] =	sbarrier.arrive $0xFFFF  }
0x4d: {  	_ =	shalt  }

</sc_bundles>
